<compile_context>
chip_gen: v7x
topology: tpu7x:2x2x1
jax: 0.10.2.dev20260603
libtpu: 0.0.44.dev20260713+nightly
codegen_flags: <defaults>
</compile_context>

<pallas_src>
import functools

import jax
import jax.numpy as jnp
from jax import lax
from jax.experimental import pallas as pl
from jax.experimental.pallas import tpu as pltpu
from jax.experimental.pallas import tpu_sc as plsc


def _transform_body(bc, t_ref, w_ref, b_ref, o_ref):
    y = lax.dot_general(
        t_ref[...],
        w_ref[...],
        (((0,), (0,)), ((), ())),
        preferred_element_type=jnp.float32,
    )
    y = y + b_ref[...]
    m = jnp.max(y, axis=-1, keepdims=True)
    e = jnp.exp(y - m)
    r = e / jnp.sum(e, axis=-1, keepdims=True)
    o_ref[:, :, 0:64] = r.reshape(bc // 8, 8, 64)


def _transform_table(table, W, b):
    V, D = table.shape
    BC = 8192
    grid = (V + BC - 1) // BC
    tableT = table.T
    packed = pl.pallas_call(
        functools.partial(_transform_body, BC),
        grid=(grid,),
        in_specs=[
            pl.BlockSpec((D, BC), lambda i: (0, i)),
            pl.BlockSpec((D, D), lambda i: (0, 0)),
            pl.BlockSpec((1, D), lambda i: (0, 0)),
        ],
        out_specs=pl.BlockSpec((BC // 8, 8, 2 * D), lambda i: (i, 0, 0)),
        out_shape=jax.ShapeDtypeStruct((V // 8, 8, 2 * D), jnp.float32),
    )(tableT, W, b.reshape(1, D))
    return packed.reshape(2 * V, D)


@functools.lru_cache(maxsize=None)
def _make_gather(V, D, N):
    info = plsc.get_sparse_core_info()
    NC, NS = info.num_cores, info.num_subcores
    NW = NC * NS
    per_w = N // NW
    C = 128
    while per_w % (2 * C) != 0:
        C //= 2
    n_chunks = per_w // C
    mesh = plsc.VectorSubcoreMesh(core_axis_name="c", subcore_axis_name="s")

    @functools.partial(
        pl.kernel,
        mesh=mesh,
        compiler_params=pltpu.CompilerParams(use_tc_tiling_on_sc=False),
        out_type=jax.ShapeDtypeStruct((N, D), jnp.float32),
        scratch_types=[
            pltpu.VMEM((per_w,), jnp.int32),
            pltpu.VMEM((2, C, D), jnp.float32),
            pltpu.SemaphoreType.DMA,
            pltpu.SemaphoreType.DMA,
            pltpu.SemaphoreType.DMA,
        ],
    )
    def gather_k(idx_hbm, tab_hbm, out_hbm, idx_v, rows_v, sem_g0, sem_g1, sem_s):
        wid = lax.axis_index("s") * NC + lax.axis_index("c")
        base = wid * per_w
        pltpu.sync_copy(idx_hbm.at[pl.ds(base, per_w)], idx_v)
        g_sems = (sem_g0, sem_g1)
        last = n_chunks - 1

        def g_start(j, slot):
            pltpu.async_copy(
                tab_hbm.at[idx_v.at[pl.ds(j * C, C)]], rows_v.at[slot], g_sems[slot]
            )

        def g_wait(slot):
            pltpu.make_async_copy(
                tab_hbm.at[idx_v.at[pl.ds(0, C)]], rows_v.at[slot], g_sems[slot]
            ).wait()

        def s_start(j, slot):
            pltpu.async_copy(
                rows_v.at[slot], out_hbm.at[pl.ds(base + j * C, C)], sem_s
            )

        def s_wait(j, slot):
            pltpu.make_async_copy(
                rows_v.at[slot], out_hbm.at[pl.ds(base + j * C, C)], sem_s
            ).wait()

        g_start(0, 0)

        def body(j2, carry):
            for bslot in (0, 1):
                j = j2 * 2 + bslot
                g_start(lax.min(j + 1, last), (bslot + 1) % 2)
                g_wait(bslot)
                s_start(j, bslot)
                s_wait(j, bslot)
            return carry

        lax.fori_loop(0, n_chunks // 2, body, 0)
        g_wait(n_chunks % 2)

    return gather_k


def _transpose_body(D, g_ref, o_ref):
    t = jnp.transpose(g_ref[...], (0, 2, 1))
    o_ref[...] = jnp.concatenate([t[:, 0:D, :], t[:, D:, :]], axis=2)


def _to_ldb(gath, B, L, D):
    BB = 128
    grid = B // BB
    g3 = gath.reshape(L, B // 2, 2 * D)
    return pl.pallas_call(
        functools.partial(_transpose_body, D),
        grid=(grid,),
        in_specs=[pl.BlockSpec((L, BB // 2, 2 * D), lambda i: (0, i, 0))],
        out_specs=pl.BlockSpec((L, D, BB), lambda i: (0, 0, i)),
        out_shape=jax.ShapeDtypeStruct((L, D, B), jnp.float32),
    )(g3)


def kernel(x, table, W, b):
    B, L = x.shape
    V, D = table.shape
    N = B * L
    table2 = _transform_table(table, W, b)
    xp = (
        x.T.reshape(L, B // 128, 2, 64)
        .transpose(0, 1, 3, 2)
        .reshape(N)
        .astype(jnp.int32)
        * 2
    )
    gath = _make_gather(2 * V, D, N)(xp, table2)
    out_ldb = _to_ldb(gath, B, L, D)
    return jnp.transpose(out_ldb, (2, 0, 1))

# --- scband reference (transcript-rebuilt; emitter-appended) ---
"""Pipeline reference for scband-embedding-block-76055280877997 (READ-ONLY COPY).

The authoritative reference and input builder live on the scoring server;
editing this copy changes nothing except your own understanding.
"""

import jax, jax.numpy as jnp
import numpy as np

VOCAB = 1000000
EMB_DIM = 64
OUT_DIM = 64
BATCH = 16384
HIST = 50


def setup_inputs(seed: int = 0) -> dict:
    key = jax.random.key(seed)
    k1, k2, k3 = jax.random.split(key, 3)
    x = jax.random.randint(k1, (BATCH, HIST), 0, VOCAB, dtype=jnp.int64 if jax.config.jax_enable_x64 else jnp.int32)
    table = jax.random.normal(k2, (VOCAB, EMB_DIM), dtype=jnp.float32) * 0.02
    W = jax.random.normal(k3, (EMB_DIM, OUT_DIM), dtype=jnp.float32) * 0.05
    b = jnp.zeros((OUT_DIM,), dtype=jnp.float32)
    return {"x": x, "table": table, "W": W, "b": b}


def reference(x, table, W, b):
    # x = self.embedding(x)
    emb = jnp.take(table, x, axis=0)  # [B, L, EMB_DIM]
    # x = self.model(x)  -- model is a Linear(input_dim=64 -> 64)
    y = emb @ W + b  # [B, L, OUT_DIM]
    # return self.softmax(x) with dim=-1
    return jax.nn.softmax(y, axis=-1)

if __name__ == "__main__":
    import jax
    _d = setup_inputs()
    print(jax.jit(kernel)(*tuple(_d.values())))

</pallas_src>

<mosaic_0001>
#map = affine_map<(d0, d1) -> (0)>
#map1 = affine_map<(d0, d1) -> (0, 0)>
module attributes {stable_mosaic.version = 14 : i64} {
  func.func @gather_k(%arg0: i32, %arg1: i32, %arg2: memref<819200xi32, #tpu.memory_space<hbm>>, %arg3: memref<2000000x64xf32, #tpu.memory_space<hbm>>, %arg4: memref<819200x64xf32, #tpu.memory_space<hbm>>, %arg5: memref<25600xi32, #tpu.memory_space<vmem>>, %arg6: memref<2x128x64xf32, #tpu.memory_space<vmem>>, %arg7: memref<!tpu.dma_semaphore, #tpu.memory_space<semaphore_mem>>, %arg8: memref<!tpu.dma_semaphore, #tpu.memory_space<semaphore_mem>>, %arg9: memref<!tpu.dma_semaphore, #tpu.memory_space<semaphore_mem>>) attributes {dimension_semantics = [#tpu.dimension_semantics<core_parallel>, #tpu.dimension_semantics<subcore_parallel>], iteration_bounds = array<i64: 2, 16>, scalar_prefetch = 0 : i64, scratch_operands = 5 : i64, tpu.core_type = #tpu.core_type<sc_vector_subcore>, window_params = [{transform_indices = #map}, {transform_indices = #map1}, {transform_indices = #map1}]} {
    %mul3A = arith.constant 2 : i32
    %mul3A_0 = arith.muli %arg1, %mul3A : i32
    %add3A = arith.addi %mul3A_0, %arg0 : i32
    %mul3A_1 = arith.constant 25600 : i32
    %mul3A_2 = arith.muli %add3A, %mul3A_1 : i32
    "tpu.region"() ({
      %run_scoped3A = tpu.sem_alloc : memref<!tpu.dma_semaphore, #tpu.memory_space<semaphore_mem>>
      %dma_start3A_26 = tpu.memref_slice %arg2[%mul3A_2] : memref<819200xi32, #tpu.memory_space<hbm>> -> memref<25600xi32, #tpu.memory_space<hbm>>
      %dma_start3A_27 = tpu.memref_slice %arg2[%mul3A_2] : memref<819200xi32, #tpu.memory_space<hbm>> -> memref<25600xi32, #tpu.memory_space<hbm>>
      tpu.enqueue_dma source(%dma_start3A_27 : memref<25600xi32, #tpu.memory_space<hbm>>) target(%arg5 : memref<25600xi32, #tpu.memory_space<vmem>>) target_semaphore(%run_scoped3A : memref<!tpu.dma_semaphore, #tpu.memory_space<semaphore_mem>>)
      %dma_wait3A_28 = tpu.memref_slice %arg2[%mul3A_2] : memref<819200xi32, #tpu.memory_space<hbm>> -> memref<25600xi32, #tpu.memory_space<hbm>>
      %dma_wait3A_29 = tpu.memref_slice %arg2[%mul3A_2] : memref<819200xi32, #tpu.memory_space<hbm>> -> memref<25600xi32, #tpu.memory_space<hbm>>
      tpu.wait_dma2 semaphore(%run_scoped3A : memref<!tpu.dma_semaphore, #tpu.memory_space<semaphore_mem>>) src(%dma_wait3A_29 : memref<25600xi32, #tpu.memory_space<hbm>>) dst(%arg5 : memref<25600xi32, #tpu.memory_space<vmem>>)
      tpu.yield
    }) : () -> ()
    %dma_start3A = arith.constant 0 : i32
    %dma_start3A_3 = arith.constant 0 : i32
    %dma_start3A_4 = arith.constant 0 : i32
    %dma_start3A_5 = tpu.memref_slice %arg6[%dma_start3A, %dma_start3A_3, %dma_start3A_4] : memref<2x128x64xf32, #tpu.memory_space<vmem>> -> memref<1x128x64xf32, #tpu.memory_space<vmem>>
    %dma_start3A_6 = tpu.memref_squeeze %dma_start3A_5 : memref<1x128x64xf32, #tpu.memory_space<vmem>> -> memref<128x64xf32, #tpu.memory_space<vmem>>
    %dma_start3A_7 = arith.constant 0 : i32
    %dma_start3A_8 = tpu.memref_slice %arg5[%dma_start3A_7] : memref<25600xi32, #tpu.memory_space<vmem>> -> memref<128xi32, #tpu.memory_space<vmem>>
    %dma_start3A_9 = arith.constant 0 : i32
    %dma_start3A_10 = arith.constant 0 : i32
    %dma_start3A_11 = tpu.memref_slice %arg3[%dma_start3A_9, %dma_start3A_10] : memref<2000000x64xf32, #tpu.memory_space<hbm>> -> memref<2000000x64xf32, #tpu.memory_space<hbm>>
    tpu.enqueue_indirect_dma source(%dma_start3A_11 : memref<2000000x64xf32, #tpu.memory_space<hbm>>) target(%dma_start3A_6 : memref<128x64xf32, #tpu.memory_space<vmem>>) offsets(%dma_start3A_8 : memref<128xi32, #tpu.memory_space<vmem>>) semaphore(%arg7 : memref<!tpu.dma_semaphore, #tpu.memory_space<semaphore_mem>>)
    %scan3A = arith.constant 0 : i32
    %scan3A_12 = arith.constant 0 : i32
    %scan3A_13 = arith.constant 100 : i32
    %scan3A_14 = arith.addi %scan3A_12, %scan3A_13 : i32
    %scan3A_15 = arith.constant 1 : i32
    scf.for %scan3A_26 = %scan3A_12 to %scan3A_14 step %scan3A_15  : i32 {
      %mul3A_27 = arith.constant 2 : i32
      %mul3A_28 = arith.muli %scan3A_26, %mul3A_27 : i32
      %add3A_29 = arith.constant 0 : i32
      %add3A_30 = arith.addi %mul3A_28, %add3A_29 : i32
      %add3A_31 = arith.constant 1 : i32
      %add3A_32 = arith.addi %add3A_30, %add3A_31 : i32
      %min3A = arith.constant 199 : i32
      %min3A_33 = arith.minsi %add3A_32, %min3A : i32
      %mul3A_34 = arith.constant 128 : i32
      %mul3A_35 = arith.muli %min3A_33, %mul3A_34 : i32
      %dma_start3A_36 = arith.constant 1 : i32
      %dma_start3A_37 = arith.constant 0 : i32
      %dma_start3A_38 = arith.constant 0 : i32
      %dma_start3A_39 = tpu.memref_slice %arg6[%dma_start3A_36, %dma_start3A_37, %dma_start3A_38] : memref<2x128x64xf32, #tpu.memory_space<vmem>> -> memref<1x128x64xf32, #tpu.memory_space<vmem>>
      %dma_start3A_40 = tpu.memref_squeeze %dma_start3A_39 : memref<1x128x64xf32, #tpu.memory_space<vmem>> -> memref<128x64xf32, #tpu.memory_space<vmem>>
      %dma_start3A_41 = tpu.memref_slice %arg5[%mul3A_35] : memref<25600xi32, #tpu.memory_space<vmem>> -> memref<128xi32, #tpu.memory_space<vmem>>
      %dma_start3A_42 = arith.constant 0 : i32
      %dma_start3A_43 = arith.constant 0 : i32
      %dma_start3A_44 = tpu.memref_slice %arg3[%dma_start3A_42, %dma_start3A_43] : memref<2000000x64xf32, #tpu.memory_space<hbm>> -> memref<2000000x64xf32, #tpu.memory_space<hbm>>
      tpu.enqueue_indirect_dma source(%dma_start3A_44 : memref<2000000x64xf32, #tpu.memory_space<hbm>>) target(%dma_start3A_40 : memref<128x64xf32, #tpu.memory_space<vmem>>) offsets(%dma_start3A_41 : memref<128xi32, #tpu.memory_space<vmem>>) semaphore(%arg8 : memref<!tpu.dma_semaphore, #tpu.memory_space<semaphore_mem>>)
      %dma_wait3A_45 = arith.constant 0 : i32
      %dma_wait3A_46 = arith.constant 0 : i32
      %dma_wait3A_47 = arith.constant 0 : i32
      %dma_wait3A_48 = tpu.memref_slice %arg6[%dma_wait3A_45, %dma_wait3A_46, %dma_wait3A_47] : memref<2x128x64xf32, #tpu.memory_space<vmem>> -> memref<1x128x64xf32, #tpu.memory_space<vmem>>
      %dma_wait3A_49 = tpu.memref_squeeze %dma_wait3A_48 : memref<1x128x64xf32, #tpu.memory_space<vmem>> -> memref<128x64xf32, #tpu.memory_space<vmem>>
      %dma_wait3A_50 = arith.constant 0 : i32
      %dma_wait3A_51 = tpu.memref_slice %arg5[%dma_wait3A_50] : memref<25600xi32, #tpu.memory_space<vmem>> -> memref<128xi32, #tpu.memory_space<vmem>>
      %dma_wait3A_52 = arith.constant 0 : i32
      %dma_wait3A_53 = arith.constant 0 : i32
      %dma_wait3A_54 = tpu.memref_slice %arg3[%dma_wait3A_52, %dma_wait3A_53] : memref<2000000x64xf32, #tpu.memory_space<hbm>> -> memref<2000000x64xf32, #tpu.memory_space<hbm>>
      tpu.wait_indirect_dma semaphore(%arg7 : memref<!tpu.dma_semaphore, #tpu.memory_space<semaphore_mem>>) src(%dma_wait3A_54 : memref<2000000x64xf32, #tpu.memory_space<hbm>>) dst(%dma_wait3A_49 : memref<128x64xf32, #tpu.memory_space<vmem>>)
      %mul3A_55 = arith.constant 128 : i32
      %mul3A_56 = arith.muli %add3A_30, %mul3A_55 : i32
      %add3A_57 = arith.addi %mul3A_2, %mul3A_56 : i32
      %dma_start3A_58 = arith.constant 0 : i32
      %dma_start3A_59 = arith.constant 0 : i32
      %dma_start3A_60 = arith.constant 0 : i32
      %dma_start3A_61 = tpu.memref_slice %arg6[%dma_start3A_58, %dma_start3A_59, %dma_start3A_60] : memref<2x128x64xf32, #tpu.memory_space<vmem>> -> memref<1x128x64xf32, #tpu.memory_space<vmem>>
      %dma_start3A_62 = tpu.memref_squeeze %dma_start3A_61 : memref<1x128x64xf32, #tpu.memory_space<vmem>> -> memref<128x64xf32, #tpu.memory_space<vmem>>
      %dma_start3A_63 = arith.constant 0 : i32
      %dma_start3A_64 = tpu.memref_slice %arg4[%add3A_57, %dma_start3A_63] : memref<819200x64xf32, #tpu.memory_space<hbm>> -> memref<128x64xf32, #tpu.memory_space<hbm>>
      %dma_start3A_65 = arith.constant 0 : i32
      %dma_start3A_66 = tpu.memref_slice %arg4[%add3A_57, %dma_start3A_65] : memref<819200x64xf32, #tpu.memory_space<hbm>> -> memref<128x64xf32, #tpu.memory_space<hbm>>
      %dma_start3A_67 = arith.constant 0 : i32
      %dma_start3A_68 = arith.constant 0 : i32
      %dma_start3A_69 = tpu.memref_slice %arg6[%dma_start3A_58, %dma_start3A_67, %dma_start3A_68] : memref<2x128x64xf32, #tpu.memory_space<vmem>> -> memref<1x128x64xf32, #tpu.memory_space<vmem>>
      %dma_start3A_70 = tpu.memref_squeeze %dma_start3A_69 : memref<1x128x64xf32, #tpu.memory_space<vmem>> -> memref<128x64xf32, #tpu.memory_space<vmem>>
      tpu.enqueue_dma source(%dma_start3A_70 : memref<128x64xf32, #tpu.memory_space<vmem>>) target(%dma_start3A_66 : memref<128x64xf32, #tpu.memory_space<hbm>>) target_semaphore(%arg9 : memref<!tpu.dma_semaphore, #tpu.memory_space<semaphore_mem>>)
      %mul3A_71 = arith.constant 128 : i32
      %mul3A_72 = arith.muli %add3A_30, %mul3A_71 : i32
      %add3A_73 = arith.addi %mul3A_2, %mul3A_72 : i32
      %dma_wait3A_74 = arith.constant 0 : i32
      %dma_wait3A_75 = arith.constant 0 : i32
      %dma_wait3A_76 = arith.constant 0 : i32
      %dma_wait3A_77 = tpu.memref_slice %arg6[%dma_wait3A_74, %dma_wait3A_75, %dma_wait3A_76] : memref<2x128x64xf32, #tpu.memory_space<vmem>> -> memref<1x128x64xf32, #tpu.memory_space<vmem>>
      %dma_wait3A_78 = tpu.memref_squeeze %dma_wait3A_77 : memref<1x128x64xf32, #tpu.memory_space<vmem>> -> memref<128x64xf32, #tpu.memory_space<vmem>>
      %dma_wait3A_79 = arith.constant 0 : i32
      %dma_wait3A_80 = tpu.memref_slice %arg4[%add3A_73, %dma_wait3A_79] : memref<819200x64xf32, #tpu.memory_space<hbm>> -> memref<128x64xf32, #tpu.memory_space<hbm>>
      %dma_wait3A_81 = arith.constant 0 : i32
      %dma_wait3A_82 = tpu.memref_slice %arg4[%add3A_73, %dma_wait3A_81] : memref<819200x64xf32, #tpu.memory_space<hbm>> -> memref<128x64xf32, #tpu.memory_space<hbm>>
      %dma_wait3A_83 = arith.constant 0 : i32
      %dma_wait3A_84 = arith.constant 0 : i32
      %dma_wait3A_85 = tpu.memref_slice %arg6[%dma_wait3A_74, %dma_wait3A_83, %dma_wait3A_84] : memref<2x128x64xf32, #tpu.memory_space<vmem>> -> memref<1x128x64xf32, #tpu.memory_space<vmem>>
      %dma_wait3A_86 = tpu.memref_squeeze %dma_wait3A_85 : memref<1x128x64xf32, #tpu.memory_space<vmem>> -> memref<128x64xf32, #tpu.memory_space<vmem>>
      tpu.wait_dma2 semaphore(%arg9 : memref<!tpu.dma_semaphore, #tpu.memory_space<semaphore_mem>>) src(%dma_wait3A_86 : memref<128x64xf32, #tpu.memory_space<vmem>>) dst(%dma_wait3A_82 : memref<128x64xf32, #tpu.memory_space<hbm>>)
      %mul3A_87 = arith.constant 2 : i32
      %mul3A_88 = arith.muli %scan3A_26, %mul3A_87 : i32
      %add3A_89 = arith.constant 1 : i32
      %add3A_90 = arith.addi %mul3A_88, %add3A_89 : i32
      %add3A_91 = arith.constant 1 : i32
      %add3A_92 = arith.addi %add3A_90, %add3A_91 : i32
      %min3A_93 = arith.constant 199 : i32
      %min3A_94 = arith.minsi %add3A_92, %min3A_93 : i32
      %mul3A_95 = arith.constant 128 : i32
      %mul3A_96 = arith.muli %min3A_94, %mul3A_95 : i32
      %dma_start3A_97 = arith.constant 0 : i32
      %dma_start3A_98 = arith.constant 0 : i32
      %dma_start3A_99 = arith.constant 0 : i32
      %dma_start3A_100 = tpu.memref_slice %arg6[%dma_start3A_97, %dma_start3A_98, %dma_start3A_99] : memref<2x128x64xf32, #tpu.memory_space<vmem>> -> memref<1x128x64xf32, #tpu.memory_space<vmem>>
      %dma_start3A_101 = tpu.memref_squeeze %dma_start3A_100 : memref<1x128x64xf32, #tpu.memory_space<vmem>> -> memref<128x64xf32, #tpu.memory_space<vmem>>
      %dma_start3A_102 = tpu.memref_slice %arg5[%mul3A_96] : memref<25600xi32, #tpu.memory_space<vmem>> -> memref<128xi32, #tpu.memory_space<vmem>>
      %dma_start3A_103 = arith.constant 0 : i32
      %dma_start3A_104 = arith.constant 0 : i32
      %dma_start3A_105 = tpu.memref_slice %arg3[%dma_start3A_103, %dma_start3A_104] : memref<2000000x64xf32, #tpu.memory_space<hbm>> -> memref<2000000x64xf32, #tpu.memory_space<hbm>>
      tpu.enqueue_indirect_dma source(%dma_start3A_105 : memref<2000000x64xf32, #tpu.memory_space<hbm>>) target(%dma_start3A_101 : memref<128x64xf32, #tpu.memory_space<vmem>>) offsets(%dma_start3A_102 : memref<128xi32, #tpu.memory_space<vmem>>) semaphore(%arg7 : memref<!tpu.dma_semaphore, #tpu.memory_space<semaphore_mem>>)
      %dma_wait3A_106 = arith.constant 1 : i32
      %dma_wait3A_107 = arith.constant 0 : i32
      %dma_wait3A_108 = arith.constant 0 : i32
      %dma_wait3A_109 = tpu.memref_slice %arg6[%dma_wait3A_106, %dma_wait3A_107, %dma_wait3A_108] : memref<2x128x64xf32, #tpu.memory_space<vmem>> -> memref<1x128x64xf32, #tpu.memory_space<vmem>>
      %dma_wait3A_110 = tpu.memref_squeeze %dma_wait3A_109 : memref<1x128x64xf32, #tpu.memory_space<vmem>> -> memref<128x64xf32, #tpu.memory_space<vmem>>
      %dma_wait3A_111 = arith.constant 0 : i32
      %dma_wait3A_112 = tpu.memref_slice %arg5[%dma_wait3A_111] : memref<25600xi32, #tpu.memory_space<vmem>> -> memref<128xi32, #tpu.memory_space<vmem>>
      %dma_wait3A_113 = arith.constant 0 : i32
      %dma_wait3A_114 = arith.constant 0 : i32
      %dma_wait3A_115 = tpu.memref_slice %arg3[%dma_wait3A_113, %dma_wait3A_114] : memref<2000000x64xf32, #tpu.memory_space<hbm>> -> memref<2000000x64xf32, #tpu.memory_space<hbm>>
      tpu.wait_indirect_dma semaphore(%arg8 : memref<!tpu.dma_semaphore, #tpu.memory_space<semaphore_mem>>) src(%dma_wait3A_115 : memref<2000000x64xf32, #tpu.memory_space<hbm>>) dst(%dma_wait3A_110 : memref<128x64xf32, #tpu.memory_space<vmem>>)
      %mul3A_116 = arith.constant 128 : i32
      %mul3A_117 = arith.muli %add3A_90, %mul3A_116 : i32
      %add3A_118 = arith.addi %mul3A_2, %mul3A_117 : i32
      %dma_start3A_119 = arith.constant 1 : i32
      %dma_start3A_120 = arith.constant 0 : i32
      %dma_start3A_121 = arith.constant 0 : i32
      %dma_start3A_122 = tpu.memref_slice %arg6[%dma_start3A_119, %dma_start3A_120, %dma_start3A_121] : memref<2x128x64xf32, #tpu.memory_space<vmem>> -> memref<1x128x64xf32, #tpu.memory_space<vmem>>
      %dma_start3A_123 = tpu.memref_squeeze %dma_start3A_122 : memref<1x128x64xf32, #tpu.memory_space<vmem>> -> memref<128x64xf32, #tpu.memory_space<vmem>>
      %dma_start3A_124 = arith.constant 0 : i32
      %dma_start3A_125 = tpu.memref_slice %arg4[%add3A_118, %dma_start3A_124] : memref<819200x64xf32, #tpu.memory_space<hbm>> -> memref<128x64xf32, #tpu.memory_space<hbm>>
      %dma_start3A_126 = arith.constant 0 : i32
      %dma_start3A_127 = tpu.memref_slice %arg4[%add3A_118, %dma_start3A_126] : memref<819200x64xf32, #tpu.memory_space<hbm>> -> memref<128x64xf32, #tpu.memory_space<hbm>>
      %dma_start3A_128 = arith.constant 0 : i32
      %dma_start3A_129 = arith.constant 0 : i32
      %dma_start3A_130 = tpu.memref_slice %arg6[%dma_start3A_119, %dma_start3A_128, %dma_start3A_129] : memref<2x128x64xf32, #tpu.memory_space<vmem>> -> memref<1x128x64xf32, #tpu.memory_space<vmem>>
      %dma_start3A_131 = tpu.memref_squeeze %dma_start3A_130 : memref<1x128x64xf32, #tpu.memory_space<vmem>> -> memref<128x64xf32, #tpu.memory_space<vmem>>
      tpu.enqueue_dma source(%dma_start3A_131 : memref<128x64xf32, #tpu.memory_space<vmem>>) target(%dma_start3A_127 : memref<128x64xf32, #tpu.memory_space<hbm>>) target_semaphore(%arg9 : memref<!tpu.dma_semaphore, #tpu.memory_space<semaphore_mem>>)
      %mul3A_132 = arith.constant 128 : i32
      %mul3A_133 = arith.muli %add3A_90, %mul3A_132 : i32
      %add3A_134 = arith.addi %mul3A_2, %mul3A_133 : i32
      %dma_wait3A_135 = arith.constant 1 : i32
      %dma_wait3A_136 = arith.constant 0 : i32
      %dma_wait3A_137 = arith.constant 0 : i32
      %dma_wait3A_138 = tpu.memref_slice %arg6[%dma_wait3A_135, %dma_wait3A_136, %dma_wait3A_137] : memref<2x128x64xf32, #tpu.memory_space<vmem>> -> memref<1x128x64xf32, #tpu.memory_space<vmem>>
      %dma_wait3A_139 = tpu.memref_squeeze %dma_wait3A_138 : memref<1x128x64xf32, #tpu.memory_space<vmem>> -> memref<128x64xf32, #tpu.memory_space<vmem>>
      %dma_wait3A_140 = arith.constant 0 : i32
      %dma_wait3A_141 = tpu.memref_slice %arg4[%add3A_134, %dma_wait3A_140] : memref<819200x64xf32, #tpu.memory_space<hbm>> -> memref<128x64xf32, #tpu.memory_space<hbm>>
      %dma_wait3A_142 = arith.constant 0 : i32
      %dma_wait3A_143 = tpu.memref_slice %arg4[%add3A_134, %dma_wait3A_142] : memref<819200x64xf32, #tpu.memory_space<hbm>> -> memref<128x64xf32, #tpu.memory_space<hbm>>
      %dma_wait3A_144 = arith.constant 0 : i32
      %dma_wait3A_145 = arith.constant 0 : i32
      %dma_wait3A_146 = tpu.memref_slice %arg6[%dma_wait3A_135, %dma_wait3A_144, %dma_wait3A_145] : memref<2x128x64xf32, #tpu.memory_space<vmem>> -> memref<1x128x64xf32, #tpu.memory_space<vmem>>
      %dma_wait3A_147 = tpu.memref_squeeze %dma_wait3A_146 : memref<1x128x64xf32, #tpu.memory_space<vmem>> -> memref<128x64xf32, #tpu.memory_space<vmem>>
      tpu.wait_dma2 semaphore(%arg9 : memref<!tpu.dma_semaphore, #tpu.memory_space<semaphore_mem>>) src(%dma_wait3A_147 : memref<128x64xf32, #tpu.memory_space<vmem>>) dst(%dma_wait3A_143 : memref<128x64xf32, #tpu.memory_space<hbm>>)
    }
    %scan3A_16 = arith.constant 100 : i32
    %dma_wait3A = arith.constant 0 : i32
    %dma_wait3A_17 = arith.constant 0 : i32
    %dma_wait3A_18 = arith.constant 0 : i32
    %dma_wait3A_19 = tpu.memref_slice %arg6[%dma_wait3A, %dma_wait3A_17, %dma_wait3A_18] : memref<2x128x64xf32, #tpu.memory_space<vmem>> -> memref<1x128x64xf32, #tpu.memory_space<vmem>>
    %dma_wait3A_20 = tpu.memref_squeeze %dma_wait3A_19 : memref<1x128x64xf32, #tpu.memory_space<vmem>> -> memref<128x64xf32, #tpu.memory_space<vmem>>
    %dma_wait3A_21 = arith.constant 0 : i32
    %dma_wait3A_22 = tpu.memref_slice %arg5[%dma_wait3A_21] : memref<25600xi32, #tpu.memory_space<vmem>> -> memref<128xi32, #tpu.memory_space<vmem>>
    %dma_wait3A_23 = arith.constant 0 : i32
    %dma_wait3A_24 = arith.constant 0 : i32
    %dma_wait3A_25 = tpu.memref_slice %arg3[%dma_wait3A_23, %dma_wait3A_24] : memref<2000000x64xf32, #tpu.memory_space<hbm>> -> memref<2000000x64xf32, #tpu.memory_space<hbm>>
    tpu.wait_indirect_dma semaphore(%arg7 : memref<!tpu.dma_semaphore, #tpu.memory_space<semaphore_mem>>) src(%dma_wait3A_25 : memref<2000000x64xf32, #tpu.memory_space<hbm>>) dst(%dma_wait3A_20 : memref<128x64xf32, #tpu.memory_space<vmem>>)
    return
  }
}

module attributes {stable_mosaic.version = 14 : i64} {
  func.func @_transform_body(%arg0: i32, %arg1: memref<64x8192xf32, #tpu.memory_space<vmem>>, %arg2: memref<64x64xf32, #tpu.memory_space<vmem>>, %arg3: memref<1x64xf32, #tpu.memory_space<vmem>>, %arg4: memref<1024x8x128xf32, #tpu.memory_space<vmem>>) attributes {dimension_semantics = [#tpu.dimension_semantics<arbitrary>], iteration_bounds = array<i64: 123>, scalar_prefetch = 0 : i64, scratch_operands = 0 : i64, tpu.core_type = #tpu.core_type<tc>, window_params = [{transform_indices = @transform_0, window_bounds = array<i64: 64, 8192>}, {pipeline_mode = #tpu.pipeline_mode<synchronous>, transform_indices = @transform_1, window_bounds = array<i64: 64, 64>}, {pipeline_mode = #tpu.pipeline_mode<synchronous>, transform_indices = @transform_2, window_bounds = array<i64: 1, 64>}, {transform_indices = @transform_3, window_bounds = array<i64: 1024, 8, 128>}]} {
    %get3A = arith.constant 0 : index
    %get3A_0 = arith.constant 0 : index
    %get3A_1 = vector.load %arg1[%get3A, %get3A_0] : memref<64x8192xf32, #tpu.memory_space<vmem>>, vector<64x8192xf32>
    %get3A_2 = arith.constant 0 : index
    %get3A_3 = arith.constant 0 : index
    %get3A_4 = vector.load %arg2[%get3A_2, %get3A_3] : memref<64x64xf32, #tpu.memory_space<vmem>>, vector<64x64xf32>
    %dot_general3A = arith.constant dense<0.000000e+00> : vector<8192x64xf32>
    %dot_general3A_5 = tpu.matmul %get3A_1, %get3A_4, %dot_general3A {dimension_numbers = #tpu.dot_dimension_numbers<[0], [0], [1], [1], [0, 1, 1, 1], [], []>, transpose_lhs_hint = false} : vector<64x8192xf32>, vector<64x64xf32>, vector<8192x64xf32> -> vector<8192x64xf32>
    %get3A_6 = arith.constant 0 : index
    %get3A_7 = arith.constant 0 : index
    %get3A_8 = vector.load %arg3[%get3A_6, %get3A_7] : memref<1x64xf32, #tpu.memory_space<vmem>>, vector<1x64xf32>
    %add3A = vector.broadcast %get3A_8 : vector<1x64xf32> to vector<8192x64xf32>
    %add3A_9 = arith.addf %dot_general3A_5, %add3A : vector<8192x64xf32>
    %reduce_max3A = arith.constant dense<0xFF800000> : vector<8192xf32>
    %reduce_max3A_10 = vector.multi_reduction <maximumf>, %add3A_9, %reduce_max3A [1] : vector<8192x64xf32> to vector<8192xf32>
    %broadcast_in_dim3A = vector.shape_cast %reduce_max3A_10 : vector<8192xf32> to vector<8192x1xf32>
    %sub3A = vector.broadcast %broadcast_in_dim3A : vector<8192x1xf32> to vector<8192x64xf32>
    %sub3A_11 = arith.subf %add3A_9, %sub3A : vector<8192x64xf32>
    %exp3A = math.exp %sub3A_11 : vector<8192x64xf32>
    %reduce_sum3A = arith.constant dense<0.000000e+00> : vector<8192xf32>
    %reduce_sum3A_12 = vector.multi_reduction <add>, %exp3A, %reduce_sum3A [1] : vector<8192x64xf32> to vector<8192xf32>
    %broadcast_in_dim3A_13 = vector.shape_cast %reduce_sum3A_12 : vector<8192xf32> to vector<8192x1xf32>
    %div3A = vector.broadcast %broadcast_in_dim3A_13 : vector<8192x1xf32> to vector<8192x64xf32>
    %div3A_14 = arith.divf %exp3A, %div3A : vector<8192x64xf32>
    %reshape3A = vector.shape_cast %div3A_14 : vector<8192x64xf32> to vector<1024x8x64xf32>
    %swap3A = arith.constant 0 : index
    %swap3A_15 = arith.constant 0 : index
    %swap3A_16 = arith.constant 0 : index
    %swap3A_17 = vector.load %arg4[%swap3A, %swap3A_15, %swap3A_16] : memref<1024x8x128xf32, #tpu.memory_space<vmem>>, vector<1024x8x64xf32>
    tpu.vector_store %arg4[%swap3A, %swap3A_15, %swap3A_16], %reshape3A {strides = array<i32>} : memref<1024x8x128xf32, #tpu.memory_space<vmem>>, vector<1024x8x64xf32>,
    return
  }
  func.func @transform_0(%arg0: i32) -> (i32, i32) {
    %c0_i32 = arith.constant 0 : i32
    %c0_i32_0 = arith.constant 0 : i32
    return %c0_i32, %arg0 : i32, i32
  }
  func.func @transform_1(%arg0: i32) -> (i32, i32) {
    %c0_i32 = arith.constant 0 : i32
    %c0_i32_0 = arith.constant 0 : i32
    %c0_i32_1 = arith.constant 0 : i32
    return %c0_i32, %c0_i32_0 : i32, i32
  }
  func.func @transform_2(%arg0: i32) -> (i32, i32) {
    %c0_i32 = arith.constant 0 : i32
    %c0_i32_0 = arith.constant 0 : i32
    %c0_i32_1 = arith.constant 0 : i32
    return %c0_i32, %c0_i32_0 : i32, i32
  }
  func.func @transform_3(%arg0: i32) -> (i32, i32, i32) {
    %c0_i32 = arith.constant 0 : i32
    %c0_i32_0 = arith.constant 0 : i32
    %c0_i32_1 = arith.constant 0 : i32
    return %arg0, %c0_i32, %c0_i32_0 : i32, i32, i32
  }
}

module attributes {stable_mosaic.version = 14 : i64} {
  func.func @_transpose_body(%arg0: i32, %arg1: memref<50x64x128xf32, #tpu.memory_space<vmem>>, %arg2: memref<50x64x128xf32, #tpu.memory_space<vmem>>) attributes {dimension_semantics = [#tpu.dimension_semantics<arbitrary>], iteration_bounds = array<i64: 128>, scalar_prefetch = 0 : i64, scratch_operands = 0 : i64, tpu.core_type = #tpu.core_type<tc>, window_params = [{transform_indices = @transform_0, window_bounds = array<i64: 50, 64, 128>}, {transform_indices = @transform_1, window_bounds = array<i64: 50, 64, 128>}]} {
    %get3A = arith.constant 0 : index
    %get3A_0 = arith.constant 0 : index
    %get3A_1 = arith.constant 0 : index
    %get3A_2 = vector.load %arg1[%get3A, %get3A_0, %get3A_1] : memref<50x64x128xf32, #tpu.memory_space<vmem>>, vector<50x64x128xf32>
    %transpose3A = tpu.transpose %get3A_2, [0, 2, 1] : vector<50x64x128xf32> -> vector<50x128x64xf32>
    %slice3A = vector.extract_strided_slice %transpose3A {offsets = [0, 0, 0], sizes = [50, 64, 64], strides = [1, 1, 1]} : vector<50x128x64xf32> to vector<50x64x64xf32>
    %slice3A_3 = vector.extract_strided_slice %transpose3A {offsets = [0, 64, 0], sizes = [50, 64, 64], strides = [1, 1, 1]} : vector<50x128x64xf32> to vector<50x64x64xf32>
    %concatenate3A = tpu.concatenate %slice3A, %slice3A_3 in 2 : vector<50x64x64xf32>, vector<50x64x64xf32> -> vector<50x64x128xf32>
    %swap3A = arith.constant 0 : index
    %swap3A_4 = arith.constant 0 : index
    %swap3A_5 = arith.constant 0 : index
    %swap3A_6 = vector.load %arg2[%swap3A, %swap3A_4, %swap3A_5] : memref<50x64x128xf32, #tpu.memory_space<vmem>>, vector<50x64x128xf32>
    tpu.vector_store %arg2[%swap3A, %swap3A_4, %swap3A_5], %concatenate3A {strides = array<i32>} : memref<50x64x128xf32, #tpu.memory_space<vmem>>, vector<50x64x128xf32>,
    return
  }
  func.func @transform_0(%arg0: i32) -> (i32, i32, i32) {
    %c0_i32 = arith.constant 0 : i32
    %c0_i32_0 = arith.constant 0 : i32
    %c0_i32_1 = arith.constant 0 : i32
    return %c0_i32, %arg0, %c0_i32_0 : i32, i32, i32
  }
  func.func @transform_1(%arg0: i32) -> (i32, i32, i32) {
    %c0_i32 = arith.constant 0 : i32
    %c0_i32_0 = arith.constant 0 : i32
    %c0_i32_1 = arith.constant 0 : i32
    return %c0_i32, %c0_i32_0, %arg0 : i32, i32, i32
  }
}

</mosaic_0001>

<sc_bundles>
// kernel: kernel.5.cloned.1.call-start
scs
__scs_entry_jumppad:
0x0: {  	(pc) =	sbr.rel $0x88, $3  }
0x1: {  	(tag) =	ssettag $0x0;
	lr =	simm.s32 $0x1  }
0x2: {  	[smem:$0x3F9D] =	sst lr;
	_ =	strace $0xD0000000  }
0x3: {  	_ = 	snop  }
0x4: {  	_ = 	snop  }
0x5: {  	_ = 	snop  }
0x6: {  	_ = 	snop  }
0x7: {  	_ = 	snop  }
__scs_overlays_trampoline_lowered:
0x8: {  	[smem:$0x3FAC] =	sst s0  }
0x9: {  	[smem:$0x3FAD] =	sst s1  }
0xa: {  	[smem:$0x3FAE] =	sst s2  }
0xb: {  	[smem:$0x3FAF] =	sst s3  }
0xc: {  	[smem:$0x3FB0] =	sst s4  }
0xd: {  	[smem:$0x3FB1] =	sst s5  }
0xe: {  	[smem:$0x3FB2] =	sst s6  }
0xf: {  	[smem:$0x3FB3] =	sst s7  }
0x10: {  	[smem:$0x3FB4] =	sst s8  }
0x11: {  	[smem:$0x3FB5] =	sst s9;
	s0 =	simm.s32 @!p0 $0x0  }
0x12: {  	s1 =	sld [smem:$0x3F9B];
	s0 =	simm.s32 @p0 $0x1  }
0x13: {  	[smem:$0x3FB6] =	sst s0;
	s0 =	simm.s32 @!p1 $0x0  }
0x14: {  	s2 =	sld [smem:$0x3F9A];
	s0 =	simm.s32 @p1 $0x1  }
0x15: {  	[smem:$0x3FB7] =	sst s0;
	s0 =	simm.s32 @!p2 $0x0  }
0x16: {  	s3 =	sld [smem:$0x3FDB];
	s0 =	simm.s32 @p2 $0x1  }
0x17: {  	s4 =	simm.s32 $0x1BF5;
	[smem:$0x3FB9] =	sst s0  }
0x18: {  	s0 =	sld [smem:$0x3F9C];
	_ =	swait.ge [sflag:s4], $0x0  }
0x19: {  	s7 =	sld [smem:$0x3F9D]  }
0x1a: {  	s8 =	sadd.s32 $0xFFFFE003, lr  }
0x1b: {  	s9 =	sadd.s32 $0xFFFFFEF7, lr;
	s5 =	simm.s32 $0xFFFFFFFF;
	p2 =	slt.u32 s8, $0xFFFFF086  }
0x1c: {  	p1 =	slt.u32 s9, $0xF7A;
	s5 =	simm.s32 @!p2 $0x0  }
0x1d: {  	s5 =	simm.s32 @p1 $0x1;
	p0 =	seq.s32 s7, s2  }
0x1e: {  	s7 =	smul.u32 @!p0 $0xF7A, s2;
	p2 =	seq.s32 @!p0 s5, $0x0  }
0x1f: {  	s9 =	smul.u32 $0xF7A, s1;
	s8 =	simm.s32 @!p0 $0x1BF5;
	p2 =	por !p2, p0  }
0x20: {  	[sflag:s8] =	ssyncset.s32 @!p0 $0xFFFFF086;
	s6 =	sadd.s32 @!p0 s3, s7;
	s7 =	simm.s32 @!p0 $0x108  }
0x21: {  	s3 =	sadd.s32 s3, s9;
	s6 =	sadd.s32 @!p0 $0x88, s6;
	s7 =	simm.s32 @p2 $0x1082  }
0x22: {  	[simem:s7], [sflag:s8] =	dma.local @!p0 [hbm:s6], $0xF7A  }
0x23: {  	s9 =	sor.u32 $0xD0000000, s2;
	s6 =	simm.s32 $0x108;
	_ =	swait.ge @!p0 [sflag:s8], $0x0  }
0x24: {  	s3 =	sadd.s32 $0x88, s3;
	s6 =	simm.s32 @!p1 $0x1082;
	[sflag:s4] =	ssyncset.s32 $0xFFFFF086  }
0x25: {  	[simem:s6], [sflag:s4] =	dma.local [hbm:s3], $0xF7A  }
0x26: {  	[smem:$0x3F9D] =	sst s1;
	(tag) =	ssettag s2;
	_ =	strace s9  }
0x27: {  	s1 =	sld [smem:$0x3FAD]  }
0x28: {  	s2 =	sld [smem:$0x3FAE]  }
0x29: {  	s4 =	sld [smem:$0x3FB0]  }
0x2a: {  	p0 =	seq.s32 s5, $0x0;
	s5 =	sld [smem:$0x3FB1]  }
0x2b: {  	s6 =	sld [smem:$0x3FB2]  }
0x2c: {  	s7 =	sld [smem:$0x3FB3]  }
0x2d: {  	s3 =	simm.s32 $0x108;
	s8 =	sld [smem:$0x3FB4]  }
0x2e: {  	s3 =	simm.s32 @!p0 $0x1082;
	s9 =	sld [smem:$0x3FB5]  }
0x2f: {  	lr =	sadd.s32 s0, s3;
	s0 =	sld [smem:$0x3FAC]  }
0x30: {  	s3 =	sld [smem:$0x3FAF]  }
0x31: {  	[smem:$0x3FB8] =	sst s10  }
0x32: {  	s10 =	sld [smem:$0x3FB6];
	_ =	sdelay $0x3  }
0x33: {  	p0 =	seq.s32 s10, $0x1;
	s10 =	sld [smem:$0x3FB8];
	_ =	sdelay $0x3  }
0x34: {  	[smem:$0x3FB8] =	sst s10  }
0x35: {  	s10 =	sld [smem:$0x3FB7];
	_ =	sdelay $0x3  }
0x36: {  	p1 =	seq.s32 s10, $0x1;
	s10 =	sld [smem:$0x3FB8];
	_ =	sdelay $0x3  }
0x37: {  	[smem:$0x3FB8] =	sst s10  }
0x38: {  	s10 =	sld [smem:$0x3FB9]  }
0x39: {  	_ = 	snop;
	(pc) =	sbr.ind lr, $3  }
0x3a: {  	_ = 	snop  }
0x3b: {  	_ = 	snop  }
0x3c: {  	p2 =	seq.s32 s10, $0x1;
	s10 =	sld [smem:$0x3FB8]  }
0x3d: {  	_ =	shalt  }
0x3e: {  	_ =	shalt  }
0x3f: {  	_ =	shalt  }
0x40: {  	_ =	shalt  }
0x41: {  	_ =	shalt  }
0x42: {  	_ =	shalt  }
0x43: {  	_ =	shalt  }
0x44: {  	_ =	shalt  }
0x45: {  	_ =	shalt  }
0x46: {  	_ =	shalt  }
0x47: {  	_ =	shalt  }
0x48: {  	_ =	shalt  }
0x49: {  	_ =	shalt  }
0x4a: {  	_ =	shalt  }
0x4b: {  	_ =	shalt  }
0x4c: {  	_ =	shalt  }
0x4d: {  	_ =	shalt  }
0x4e: {  	_ =	shalt  }
0x4f: {  	_ =	shalt  }
0x50: {  	_ =	shalt  }
0x51: {  	_ =	shalt  }
0x52: {  	_ =	shalt  }
0x53: {  	_ =	shalt  }
0x54: {  	_ =	shalt  }
0x55: {  	_ =	shalt  }
0x56: {  	_ =	shalt  }
0x57: {  	_ =	shalt  }
0x58: {  	_ =	shalt  }
0x59: {  	_ =	shalt  }
0x5a: {  	_ =	shalt  }
0x5b: {  	_ =	shalt  }
0x5c: {  	_ =	shalt  }
0x5d: {  	_ =	shalt  }
0x5e: {  	_ =	shalt  }
0x5f: {  	_ =	shalt  }
0x60: {  	_ =	shalt  }
0x61: {  	_ =	shalt  }
0x62: {  	_ =	shalt  }
0x63: {  	_ =	shalt  }
0x64: {  	_ =	shalt  }
0x65: {  	_ =	shalt  }
0x66: {  	_ =	shalt  }
0x67: {  	_ =	shalt  }
0x68: {  	_ =	shalt  }
0x69: {  	_ =	shalt  }
0x6a: {  	_ =	shalt  }
0x6b: {  	_ =	shalt  }
0x6c: {  	_ =	shalt  }
0x6d: {  	_ =	shalt  }
0x6e: {  	_ =	shalt  }
0x6f: {  	_ =	shalt  }
0x70: {  	_ =	shalt  }
0x71: {  	_ =	shalt  }
0x72: {  	_ =	shalt  }
0x73: {  	_ =	shalt  }
0x74: {  	_ =	shalt  }
0x75: {  	_ =	shalt  }
0x76: {  	_ =	shalt  }
0x77: {  	_ =	shalt  }
0x78: {  	_ =	shalt  }
0x79: {  	_ =	shalt  }
0x7a: {  	_ =	shalt  }
0x7b: {  	_ =	shalt  }
0x7c: {  	_ =	shalt  }
0x7d: {  	_ =	shalt  }
0x7e: {  	_ =	shalt  }
0x7f: {  	_ =	shalt  }
0x80: {  	_ =	shalt  }
0x81: {  	_ =	shalt  }
0x82: {  	_ =	shalt  }
0x83: {  	_ =	shalt  }
0x84: {  	_ =	shalt  }
0x85: {  	_ =	shalt  }
0x86: {  	_ =	shalt  }
0x87: {  	_ =	shalt  }
.Lfunc_end0:
.L_simem_size_0:
called_computation_lowered:
.L_overlay_start_0:
0x88: {  	s2 =	sld [smem:$0x3FD9]  }
0x89: {  	s3 =	sld [smem:$0x3FFE];
	_ =	sdelay $0x1  }
0x8a: {  	s1 =	srdreg.scid  }
0x8b: {  	s0 =	sand.u32 $0x1, s1  }
0x8c: {  	s16 =	sshll.u32 s0, $0xA;
	s2 =	sadd.s32 s3, s2  }
0x8d: {  	s2 =	sadd.s32 s2, s16  }
0x8e: {  	[smem:$0x3FC4] =	sst s2  }
0x8f: {  	_ = 	snop  }
0x90: {  	(tm) =	ssettm $0x1  }
0x91: {  	s17 =	sld [smem:$0x3FFB];
	_ =	sdelay $0x3  }
0x92: {  	_ =	strace s17  }
0x93: {  	s2 =	sld [smem:$0x3FFC];
	_ =	sdelay $0x3  }
0x94: {  	_ =	strace s2  }
0x95: {  	s2 =	sld [smem:$0x3FFD];
	_ =	sdelay $0x3  }
0x96: {  	_ =	strace s2  }
0x97: {  	_ =	strace $0x8FFFFFFF  }
0x98: {  	s18 =	sld [smem:$0x3FDB];
	_ =	sdelay $0x1  }
0x99: {  	s19 =	simm.s32 $_scs_section_size  }
0x9a: {  	s4 =	simm.s32 $_size__tile_overlayer_lowered;
	s5 =	simm.s32 $_tile_overlayer_lowered  }
0x9b: {  	s22 =	simm.s32 $0x1BFF;
	s21 =	sshll.u32 s5, $0x1;
	s2 =	sadd.s32 s19, s18  }
0x9c: {  	s6 =	simm.s32 $0x0;
	s20 =	sshll.u32 s4, $0x1;
	s4 =	sadd.s32 s21, s2  }
0x9d: {  	[timem:s6], [sflag:s22] =	dma.local [hbm:s4], s20  }
0x9e: {  	_ =	swait.ge [sflag:s22], s20  }
0x9f: {  	s3 =	ssub.s32 $0x0, s20;
	[sflag:s22] =	ssyncset.done $0x0  }
0xa0: {  	[sflag:s22] =	ssyncadd.s32 s3;
	_ =	sdelay $0x1  }
0xa1: {  	s23 =	simm.s32 $0x1B8B  }
0xa2: {  	_ =	swait.ge [sflag:s23], $0x1  }
0xa3: {  	[sflag:s23] =	ssyncset.done $0x0  }
0xa4: {  	s25 =	simm.s32 $0x1B8E;
	s24 =	sld [smem:$0x3FFE];
	[sflag:s23] =	ssyncadd.s32 $0xFFFFFFFF  }
0xa5: {  	s26 =	simm.s32 $execute0_lowered;
	[smem:$0x3FD2] =	sst s25  }
0xa6: {  	s4 =	sshll.u32 s26, $0x1;
	_ =	strace $0x80000046;
	[dreg:$0x1] =	wrdreg $0xFFFFFFFF  }
0xa7: {  	s28 =	simm.s32 $_size_execute0_lowered;
	s2 =	sadd.s32 s2, s4;
	[dreg:$0x0] =	wrdreg $0x0  }
0xa8: {  	s4 =	sshll.u32 s28, $0x1;
	[dreg:$0x2] =	wrdreg s2  }
0xa9: {  	[dreg:$0x3] =	wrdreg s4  }
0xaa: {  	[dreg:$0x4] =	wrdreg $0xC0  }
0xab: {  	_ =	task [dreg:s6], $0x5FFFF  }
0xac: {  	[dreg:$0x1] =	wrdreg $0xFFFFFFFF  }
0xad: {  	[dreg:$0x0] =	wrdreg $0x60  }
0xae: {  	[dreg:$0x2] =	wrdreg s24  }
0xaf: {  	[dreg:$0x3] =	wrdreg $0x9  }
0xb0: {  	_ =	task.clear_ibuf [dreg:s6], $0x4FFFF;
	_ =	strace $0x90000046  }
0xb1: {  	s29 =	simm.s32 $0x9;
	_ =	strace $0x80000048  }
0xb2: {  	_ =	swait.ge [sflag:s29], $0x1  }
0xb3: {  	[sflag:s29] =	ssyncadd.s32 $0xFFFFFFFF  }
0xb4: {  	_ =	strace $0x90000048  }
0xb5: {  	_ =	sfence  }
0xb6: {  	s30 =	sld [smem:$0x0];
	_ =	sdelay $0x2  }
0xb7: {  	s31 =	sshll.u32 s1, $0xD;
	s1 =	sshrl.u32 s1, $0x2  }
0xb8: {  	s3 =	sand.u32 $0x4000, s31;
	s1 =	sadd.s32 s1, s30  }
0xb9: {  	s0 =	sor.u32 s3, s0;
	s1 =	sshll.u32 s1, $0x11  }
0xba: {  	s0 =	sor.u32 s1, s0  }
0xbb: {  	s0 =	sadd.s32 $0x8F2B, s0  }
0xbc: {  	[sflag:s0] =	ssyncadd.remote.s32 $0x1  }
0xbd: {  	_ =	sfence.sel $0xFFFF  }
0xbe: {  	[dreg:$0x0] =	wrdreg $0xFFFFFFFF;
	(pc) =	sbr.abs _section_cstart, $3  }
0xbf: {  	[dreg:$0x1] =	wrdreg $0xFFFFFFFF  }
0xc0: {  	_ =	task.clear_ibuf [dreg:s6], $0x2FFFF;
	_ =	strace $0x9FFFFFFF  }
0xc1: {  	(tm) =	ssettm $0x7FFFFFFF  }
tec
execute0_lowered:
.L_overlay_start_1:
0x0: {  	(tag) =	ssettag $0x1  }
0x1: {  	s1 =	srdreg.scid;
	s0 =	stileid.u32  }
0x2: {  	s4 =	rddreg [dreg:$0x0];
	s2 =	simm.s32 $0x0;
	s12 =	simm.s32 $0x6400  }
0x3: {  	s13 =	simm.s32 $0x8400;
	s14 =	simm.s32 $0x1;
	s15 =	simm.s32 $0x3  }
0x4: {  	s16 =	simm.s32 $0x2;
	s17 =	simm.s32 $0x6380;
	s18 =	simm.s32 $0x0  }
0x5: {  	s3 =	sand.u32 $0x1, s1;
	s28 =	sshll.u32 s0, $0x1;
	s1 =	rddreg [dreg:$0x1]  }
0x6: {  	[smem:$0x7FF] =	sst s2;
	s8 =	smul.u32 $0x320000, s0;
	s11 =	sadd.s32 $0xF5BC00, s4  }
0x7: {  	s5 =	sor.u32 s3, s28;
	s7 =	ssub.s32 $0x2, s3;
	s10 =	smul.u32 $0x190000, s3  }
0x8: {  	_ =	strace $0x80000047;
	s6 =	smul.u32 $0xC80, s5;
	s9 =	sshrl.u32 s7, $0x1  }
0x9: {  	s3 =	sadd.s32 $0x19800, s4;
	s5 =	smul.u32 $0x190000, s5;
	s7 =	ssub.s32 s7, s9  }
0xa: {  	s8 =	sadd.s32 s10, s8;
	s10 =	simm.s32 $0x4;
	s6 =	sadd.s32 s6, s4  }
0xb: {  	s29 =	sshrl.u32 s5, $0x3;
	s5 =	smax.u32 s7, $0x1;
	s31 =	sor.u32 $0x2000, s8  }
0xc: {  	s8 =	sshrl.u32 s8, $0x3;
	s4 =	sadd.s32 $0x800, s6;
	s30 =	sadd.s32 s11, s29  }
0xd: {  	s9 =	sshrl.u32 s31, $0x3;
	s8 =	sadd.s32 s8, s11;
	s6 =	sadd.s32 $0x31800, s30  }
0xe: {  	s7 =	sadd.s32 $0x31C00, s30;
	s9 =	sadd.s32 s9, s11;
	s11 =	simm.s32 $0x80  }
.LBB2_1:
0xf: {  	[tilespmem:s2], [sflag:$0x4] =	stream.linear.gather [hbm4b:s4+s2], $0x6400, $0x38;
	[tilespmem:$0xA400] =	vst v63  }
0x10: {  	_ =	swait.ge [sflag:s10], $0x6400  }
0x11: {  	[sflag:s10] =	ssyncset.done $0x0  }
0x12: {  	[sflag:s10] =	ssyncadd.s32 $0xFFFF9C00  }
0x13: {  	[tilespmem:s12], [sflag:$0x1] =	stream.indirect.gather [hbm4b:s3+s11], $0x40, s2, s11, $0xb8;
	[tilespmem:$0xA400] =	vst v63  }
0x14: {  	s19 =	simm.s32 $0x80  }
0x15: {  	[tilespmem:s13], [sflag:$0x2] =	stream.indirect.gather [hbm4b:s3+s11], $0x40, s19, s11, $0xb8;
	[tilespmem:$0xA400] =	vst v63  }
0x16: {  	_ =	swait.ge [sflag:s14], $0x2000  }
0x17: {  	[sflag:s14] =	ssyncset.done $0x0  }
0x18: {  	s29 =	sadd.s32 $0x0, s8;
	[sflag:s14] =	ssyncadd.s32 $0xFFFFE000  }
0x19: {  	[hbm4b:s29+s2] =	stream.linear.scatter [tilespmem:s12], [sflag:$0x3], $0x2000, $0x38;
	[tilespmem:$0xA400] =	vst v63  }
0x1a: {  	_ =	swait.ge [sflag:s15], $0x2000  }
0x1b: {  	[sflag:s15] =	ssyncset.done $0x0  }
0x1c: {  	s30 =	simm.s32 $0x100;
	[sflag:s15] =	ssyncadd.s32 $0xFFFFE000  }
0x1d: {  	[tilespmem:s12], [sflag:$0x1] =	stream.indirect.gather [hbm4b:s3+s11], $0x40, s30, s11, $0xb8;
	[tilespmem:$0xA400] =	vst v63  }
0x1e: {  	_ =	swait.ge [sflag:s16], $0x2000  }
0x1f: {  	[sflag:s16] =	ssyncset.done $0x0  }
0x20: {  	s31 =	sadd.s32 $0x0, s9;
	[sflag:s16] =	ssyncadd.s32 $0xFFFFE000  }
0x21: {  	[hbm4b:s31+s2] =	stream.linear.scatter [tilespmem:s13], [sflag:$0x3], $0x2000, $0x38;
	[tilespmem:$0xA400] =	vst v63  }
0x22: {  	s21 =	simm.s32 $0x1000;
	_ =	swait.ge [sflag:s15], $0x2000  }
0x23: {  	s20 =	simm.s32 $0x200;
	s19 =	simm.s32 $0x800;
	[sflag:s15] =	ssyncset.done $0x0  }
.LBB2_2:
0x24: {  	p0 =	sne.s32 s21, $0x31000;
	s22 =	sadd.s32 $0xFFFFFF80, s20;
	[sflag:s15] =	ssyncadd.s32 $0xFFFFE000  }
0x25: {  	[tilespmem:s13], [sflag:$0x2] =	stream.indirect.gather [hbm4b:s3+s11], $0x40, s22, s11, $0xb8;
	[tilespmem:$0xA400] =	vst v63  }
0x26: {  	s22 =	smov.u32 s21;
	s21 =	sadd.s32 $0x800, s21;
	_ =	swait.ge [sflag:s14], $0x2000  }
0x27: {  	[sflag:s14] =	ssyncset.done $0x0  }
0x28: {  	s23 =	sadd.s32 s19, s8;
	[sflag:s14] =	ssyncadd.s32 $0xFFFFE000  }
0x29: {  	[hbm4b:s23+s2] =	stream.linear.scatter [tilespmem:s12], [sflag:$0x3], $0x2000, $0x38;
	[tilespmem:$0xA400] =	vst v63  }
0x2a: {  	_ =	swait.ge [sflag:s15], $0x2000  }
0x2b: {  	[sflag:s15] =	ssyncset.done $0x0  }
0x2c: {  	[sflag:s15] =	ssyncadd.s32 $0xFFFFE000  }
0x2d: {  	[tilespmem:s12], [sflag:$0x1] =	stream.indirect.gather [hbm4b:s3+s11], $0x40, s20, s11, $0xb8;
	[tilespmem:$0xA400] =	vst v63  }
0x2e: {  	_ =	swait.ge [sflag:s16], $0x2000  }
.Ltmp0:
0x2f: {  	[sflag:s16] =	ssyncset.done $0x0;
	(pc) =	sbr.rel @p0 .LBB2_2-.Ltmp0, $4  }
0x30: {  	s23 =	sadd.s32 s19, s9;
	s19 =	smov.u32 s22;
	[sflag:s16] =	ssyncadd.s32 $0xFFFFE000  }
0x31: {  	[hbm4b:s23+s2] =	stream.linear.scatter [tilespmem:s13], [sflag:$0x3], $0x2000, $0x38;
	[tilespmem:$0xA400] =	vst v63  }
0x32: {  	_ =	swait.ge [sflag:s15], $0x2000  }
0x33: {  	s20 =	sadd.s32 $0x100, s20;
	[sflag:s15] =	ssyncset.done $0x0  }
0x34: {  	s21 =	sadd.s32 $0xFFFFFF80, s20;
	[sflag:s15] =	ssyncadd.s32 $0xFFFFE000  }
0x35: {  	[tilespmem:s13], [sflag:$0x2] =	stream.indirect.gather [hbm4b:s3+s11], $0x40, s21, s11, $0xb8;
	[tilespmem:$0xA400] =	vst v63  }
0x36: {  	_ =	swait.ge [sflag:s14], $0x2000  }
0x37: {  	[sflag:s14] =	ssyncset.done $0x0  }
0x38: {  	s30 =	sadd.s32 s19, s8;
	[sflag:s14] =	ssyncadd.s32 $0xFFFFE000  }
0x39: {  	[hbm4b:s30+s2] =	stream.linear.scatter [tilespmem:s12], [sflag:$0x3], $0x2000, $0x38;
	[tilespmem:$0xA400] =	vst v63  }
0x3a: {  	_ =	swait.ge [sflag:s15], $0x2000  }
0x3b: {  	[sflag:s15] =	ssyncset.done $0x0  }
0x3c: {  	[sflag:s15] =	ssyncadd.s32 $0xFFFFE000  }
0x3d: {  	[tilespmem:s12], [sflag:$0x1] =	stream.indirect.gather [hbm4b:s3+s11], $0x40, s20, s11, $0xb8;
	[tilespmem:$0xA400] =	vst v63  }
0x3e: {  	_ =	swait.ge [sflag:s16], $0x2000  }
0x3f: {  	[sflag:s16] =	ssyncset.done $0x0  }
0x40: {  	s31 =	sadd.s32 s19, s9;
	[sflag:s16] =	ssyncadd.s32 $0xFFFFE000  }
0x41: {  	[hbm4b:s31+s2] =	stream.linear.scatter [tilespmem:s13], [sflag:$0x3], $0x2000, $0x38;
	[tilespmem:$0xA400] =	vst v63  }
0x42: {  	_ =	swait.ge [sflag:s15], $0x2000  }
0x43: {  	[sflag:s15] =	ssyncset.done $0x0  }
0x44: {  	[sflag:s15] =	ssyncadd.s32 $0xFFFFE000  }
0x45: {  	[tilespmem:s13], [sflag:$0x2] =	stream.indirect.gather [hbm4b:s3+s11], $0x40, s17, s11, $0xb8;
	[tilespmem:$0xA400] =	vst v63  }
0x46: {  	_ =	swait.ge [sflag:s14], $0x2000  }
0x47: {  	[sflag:s14] =	ssyncset.done $0x0  }
0x48: {  	[sflag:s14] =	ssyncadd.s32 $0xFFFFE000  }
0x49: {  	[hbm4b:s6+s2] =	stream.linear.scatter [tilespmem:s12], [sflag:$0x3], $0x2000, $0x38;
	[tilespmem:$0xA400] =	vst v63  }
0x4a: {  	_ =	swait.ge [sflag:s15], $0x2000  }
0x4b: {  	[sflag:s15] =	ssyncset.done $0x0  }
0x4c: {  	[sflag:s15] =	ssyncadd.s32 $0xFFFFE000  }
0x4d: {  	[tilespmem:s12], [sflag:$0x1] =	stream.indirect.gather [hbm4b:s3+s11], $0x40, s17, s11, $0xb8;
	[tilespmem:$0xA400] =	vst v63  }
0x4e: {  	_ =	swait.ge [sflag:s16], $0x2000  }
0x4f: {  	[sflag:s16] =	ssyncset.done $0x0  }
0x50: {  	s18 =	sadd.s32 $0x1, s18;
	[sflag:s16] =	ssyncadd.s32 $0xFFFFE000  }
0x51: {  	[hbm4b:s7+s2] =	stream.linear.scatter [tilespmem:s13], [sflag:$0x3], $0x2000, $0x38;
	[tilespmem:$0xA400] =	vst v63  }
0x52: {  	p0 =	sne.s32 s18, s5;
	_ =	swait.ge [sflag:s15], $0x2000  }
.Ltmp1:
0x53: {  	[sflag:s15] =	ssyncset.done $0x0;
	(pc) =	sbr.rel @p0 .LBB2_1-.Ltmp1, $4  }
0x54: {  	[sflag:s15] =	ssyncadd.s32 $0xFFFFE000  }
0x55: {  	_ =	swait.ge [sflag:s14], $0x2000  }
0x56: {  	[sflag:s14] =	ssyncset.done $0x0  }
0x57: {  	[sflag:s14] =	ssyncadd.s32 $0xFFFFE000  }
0x58: {  	_ =	sfence.sel $0x180000  }
0x59: {  	[bflag:$0x0] =	sbarrier.arrive $0xFFFF  }
0x5a: {  	p0 =	sne.s32 s0, $0x0;
	_ =	strace $0x90000047  }
0x5b: {  	s0 =	sadd.s32 @!p0 $0x100000, s1;
	[bflag:$0x2] =	sbarrier.arrive $0xFFFF  }
0x5c: {  	[sflag:s0] =	ssyncadd.tile.s32 @!p0 $0x1;
	_ =	shalt  }
.Lfunc_end2:
_tile_overlayer_lowered:
.L_overlay_start_2:
0x5d: {  	(tag) =	ssettag $0x2  }
0x5e: {  	s0 =	rddreg [dreg:$0x0];
	s2 =	stileid.u32  }
0x5f: {  	s1 =	rddreg [dreg:$0x1];
	p0 =	sne.s32 s2, $0x0  }
0x60: {  	s3 =	rddreg [dreg:$0x2];
	[bflag:$0x3] =	sbarrier.arrive $0xFFFF;
	s2 =	simm.s32 @!p0 $0x1C04  }
0x61: {  	[timem:s3], [sflag:s2] =	dma.local @!p0 [hbm:s0], s1  }
0x62: {  	s0 =	simm.s32 @!p0 $0x4  }
0x63: {  	_ =	swait.ge @!p0 [sflag:s0], s1  }
0x64: {  	s1 =	ssub.s32 @!p0 $0x0, s1;
	[sflag:s0] =	ssyncset.done @!p0 $0x0  }
0x65: {  	[sflag:s0] =	ssyncadd.s32 @!p0 s1  }
0x66: {  	[bflag:$0x3] =	sbarrier.arrive $0xFFFF  }
0x67: {  	_ =	shalt  }

</sc_bundles>
